<compile_context>
chip_gen: v7x
topology: tpu7x:2x2x1
jax: 0.10.2.dev20260603
libtpu: 0.0.44.dev20260713+nightly
codegen_flags: <defaults>
</compile_context>

<pallas_src>
import functools

import jax
import jax.numpy as jnp
from jax import lax
from jax.experimental import pallas as pl
from jax.experimental.pallas import tpu as pltpu
from jax.experimental.pallas import tpu_sc as plsc

N_E = 8192
HALF = N_E // 2
D = 32
N_TOK = 16384
BT = 256
NBLK = N_TOK // BT
COMMIT = 0.25

NC = 2
NS = 16
NW = NC * NS
TOK_W = N_TOK // NW
SUB = 256
GCH = 128


def _bf16_rne(v):
    u = lax.bitcast_convert_type(v, jnp.uint32)
    lsb = (u >> jnp.uint32(16)) & jnp.uint32(1)
    r = (u + jnp.uint32(0x7FFF) + lsb) & jnp.uint32(0xFFFF0000)
    return lax.bitcast_convert_type(r, jnp.float32)


def _vq_body(x_ref, et_ref, xsq_ref, esq_ref,
             enc_ref, idx_ref, loss_ref, perp_ref,
             counts_acc, sse_acc):
    i = pl.program_id(0)
    mm = lax.dot_general(x_ref[...].astype(jnp.bfloat16),
                         et_ref[...].astype(jnp.bfloat16),
                         (((1,), (0,)), ((), ())),
                         preferred_element_type=jnp.float32)
    d = xsq_ref[...] + esq_ref[...] - 2.0 * mm
    cols = lax.broadcasted_iota(jnp.int32, (BT, N_E), 1)

    dl = d[:, :HALF]
    dr = d[:, HALF:]
    v1 = jnp.min(dl, axis=1, keepdims=True)
    c1 = jnp.min(jnp.where(dl == v1, cols[:, :HALF], N_E), axis=1, keepdims=True)
    v2 = jnp.min(dr, axis=1, keepdims=True)
    c2 = jnp.min(jnp.where(dr == v2, cols[:, HALF:], N_E), axis=1, keepdims=True)

    win_left = _bf16_rne(v1) <= v2
    idx = jnp.where(win_left, c1, c2)
    chosen_v = jnp.where(win_left, v1, v2)
    idx_ref[...] = idx

    one_hot_bf = (cols == idx).astype(jnp.bfloat16)
    enc_ref[...] = one_hot_bf.astype(jnp.float32)

    @pl.when(i == 0)
    def _init():
        counts_acc[...] = jnp.zeros_like(counts_acc)
        sse_acc[0] = 0.0

    counts_acc[...] += lax.dot_general(
        jnp.ones((1, BT), jnp.bfloat16), one_hot_bf,
        (((1,), (0,)), ((), ())), preferred_element_type=jnp.float32)
    sse_acc[0] += jnp.sum(chosen_v)

    @pl.when(i == NBLK - 1)
    def _fini():
        p = counts_acc[...] / jnp.float32(N_TOK)
        ent = jnp.sum(p * jnp.log(p + 1e-10), axis=1, keepdims=True)
        perp_ref[...] = jnp.exp(-ent)
        m = sse_acc[0] / jnp.float32(N_TOK * D)
        loss_ref[...] = jnp.full((1, 1), m + COMMIT * m, jnp.float32)


_vq_call = pl.pallas_call(
    _vq_body,
    grid=(NBLK,),
    in_specs=[
        pl.BlockSpec((BT, D), lambda i: (i, 0)),
        pl.BlockSpec((D, N_E), lambda i: (0, 0)),
        pl.BlockSpec((BT, 1), lambda i: (i, 0)),
        pl.BlockSpec((1, N_E), lambda i: (0, 0)),
    ],
    out_specs=[
        pl.BlockSpec((BT, N_E), lambda i: (i, 0)),
        pl.BlockSpec((BT, 1), lambda i: (i, 0)),
        pl.BlockSpec((1, 1), lambda i: (0, 0)),
        pl.BlockSpec((1, 1), lambda i: (0, 0)),
    ],
    out_shape=[
        jax.ShapeDtypeStruct((N_TOK, N_E), jnp.float32),
        jax.ShapeDtypeStruct((N_TOK, 1), jnp.int32),
        jax.ShapeDtypeStruct((1, 1), jnp.float32),
        jax.ShapeDtypeStruct((1, 1), jnp.float32),
    ],
    scratch_shapes=[
        pltpu.VMEM((1, N_E), jnp.float32),
        pltpu.SMEM((1,), jnp.float32),
    ],
    compiler_params=pltpu.CompilerParams(
        dimension_semantics=("arbitrary",),
    ),
)


_sc_mesh = plsc.VectorSubcoreMesh(core_axis_name="c", subcore_axis_name="s")


@functools.partial(
    pl.kernel,
    mesh=_sc_mesh,
    out_type=jax.ShapeDtypeStruct((N_TOK, D), jnp.float32),
    scratch_types=[
        pltpu.VMEM((TOK_W,), jnp.int32),
        pltpu.VMEM((SUB, 128), jnp.float32),
        pltpu.VMEM((SUB, D), jnp.float32),
        pltpu.SemaphoreType.DMA,
    ],
)
def _sc_gather_st(idx_hbm, table_hbm, x_hbm, out_hbm, idx_v, rows_v, x_v, sem):
    wid = lax.axis_index("s") * NC + lax.axis_index("c")
    base = wid * TOK_W
    pltpu.sync_copy(idx_hbm.at[pl.ds(base, TOK_W)], idx_v)
    for p in range(TOK_W // SUB):
        bp = base + p * SUB
        pltpu.sync_copy(x_hbm.at[pl.ds(bp, SUB)], x_v)
        copies = []
        for k in range(SUB // GCH):
            copies.append(pltpu.async_copy(
                table_hbm.at[idx_v.at[pl.ds(p * SUB + k * GCH, GCH)]],
                rows_v.at[pl.ds(k * GCH, GCH)], sem))
        for c in copies:
            c.wait()

        def body(r, carry):
            for h in range(D // 16):
                q16 = rows_v[r, pl.ds(h * 16, 16)]
                x16 = x_v[r, pl.ds(h * 16, 16)]
                x_v[r, pl.ds(h * 16, 16)] = x16 + (q16 - x16)
            return carry

        lax.fori_loop(0, SUB, body, 0)
        pltpu.sync_copy(x_v, out_hbm.at[pl.ds(bp, SUB)])


def kernel(inputs, embedding_weight):
    x = jnp.transpose(inputs, (0, 2, 3, 1))
    input_shape = x.shape
    flat = x.reshape(-1, D)
    xsq = jnp.sum(flat ** 2, axis=1, keepdims=True)
    esq = jnp.sum(embedding_weight ** 2, axis=1).reshape(1, N_E)
    et = embedding_weight.T
    enc, idxo, loss, perp = _vq_call(flat, et, xsq, esq)
    table = jnp.pad(embedding_weight.astype(jnp.bfloat16).astype(jnp.float32),
                    ((0, 0), (0, 128 - D)))
    qst = _sc_gather_st(idxo.reshape(N_TOK), table, flat)
    quantized_st = jnp.transpose(qst.reshape(input_shape), (0, 3, 1, 2))
    return (loss[0, 0], quantized_st, perp[0, 0], enc)

# --- scband reference (transcript-rebuilt; emitter-appended) ---
"""Pipeline reference for scband-vector-quantizer-23424751632461 (READ-ONLY COPY).

The authoritative reference and input builder live on the scoring server;
editing this copy changes nothing except your own understanding.
"""

import jax, jax.numpy as jnp
import numpy as np

N_EMBEDDINGS = 8192
EMBEDDING_DIM = 32
COMMITMENT_COST = 0.25


def setup_inputs(seed: int = 0) -> dict:
    key = jax.random.key(seed)
    k1, k2 = jax.random.split(key)
    inputs = jax.random.normal(k1, (16, EMBEDDING_DIM, 32, 32), dtype=jnp.float32)
    embedding_weight = jax.random.uniform(
        k2, (N_EMBEDDINGS, EMBEDDING_DIM), dtype=jnp.float32,
        minval=-1.0 / N_EMBEDDINGS, maxval=1.0 / N_EMBEDDINGS)
    return {"inputs": inputs, "embedding_weight": embedding_weight}


def reference(inputs, embedding_weight):
    # permute NCHW -> NHWC
    x = jnp.transpose(inputs, (0, 2, 3, 1))
    input_shape = x.shape
    flat_input = x.reshape(-1, EMBEDDING_DIM)
    # pairwise squared L2 distances to codebook
    distances = (jnp.sum(flat_input ** 2, axis=1, keepdims=True)
                 + jnp.sum(embedding_weight ** 2, axis=1)
                 - 2.0 * jnp.matmul(flat_input, embedding_weight.T))
    encoding_indices = jnp.argmin(distances, axis=1)
    n_tok = flat_input.shape[0]
    # scatter-overwrite to build one-hot encodings (mirrors torch scatter_)
    encodings = jnp.zeros((n_tok, N_EMBEDDINGS), dtype=jnp.float32).at[
        jnp.arange(n_tok), encoding_indices].set(1.0)
    quantized = jnp.matmul(encodings, embedding_weight).reshape(input_shape)
    e_latent_loss = jnp.mean((jax.lax.stop_gradient(quantized) - x) ** 2)
    q_latent_loss = jnp.mean((quantized - jax.lax.stop_gradient(x)) ** 2)
    loss = q_latent_loss + COMMITMENT_COST * e_latent_loss
    # straight-through estimator
    quantized_st = x + jax.lax.stop_gradient(quantized - x)
    avg_probs = jnp.mean(encodings, axis=0)
    perplexity = jnp.exp(-jnp.sum(avg_probs * jnp.log(avg_probs + 1e-10)))
    return (loss, jnp.transpose(quantized_st, (0, 3, 1, 2)), perplexity, encodings)

if __name__ == "__main__":
    import jax
    _d = setup_inputs()
    print(jax.jit(kernel)(*tuple(_d.values())))

</pallas_src>

<mosaic_0001>
#map = affine_map<(d0, d1) -> (0)>
#map1 = affine_map<(d0, d1) -> (0, 0)>
module attributes {stable_mosaic.version = 14 : i64} {
  func.func @_sc_gather_st(%arg0: i32, %arg1: i32, %arg2: memref<16384xi32, #tpu.memory_space<hbm>>, %arg3: memref<8192x128xf32, #tpu.memory_space<hbm>>, %arg4: memref<16384x32xf32, #tpu.memory_space<hbm>>, %arg5: memref<16384x32xf32, #tpu.memory_space<hbm>>, %arg6: memref<512xi32, #tpu.memory_space<vmem>>, %arg7: memref<256x128xf32, #tpu.memory_space<vmem>>, %arg8: memref<256x32xf32, #tpu.memory_space<vmem>>, %arg9: memref<!tpu.dma_semaphore, #tpu.memory_space<semaphore_mem>>) attributes {dimension_semantics = [#tpu.dimension_semantics<core_parallel>, #tpu.dimension_semantics<subcore_parallel>], iteration_bounds = array<i64: 2, 16>, scalar_prefetch = 0 : i64, scratch_operands = 4 : i64, tpu.core_type = #tpu.core_type<sc_vector_subcore>, window_params = [{transform_indices = #map}, {transform_indices = #map1}, {transform_indices = #map1}, {transform_indices = #map1}]} {
    %mul3A = arith.constant 2 : i32
    %mul3A_0 = arith.muli %arg1, %mul3A : i32
    %add3A = arith.addi %mul3A_0, %arg0 : i32
    %mul3A_1 = arith.constant 512 : i32
    %mul3A_2 = arith.muli %add3A, %mul3A_1 : i32
    "tpu.region"() ({
      %run_scoped3A = tpu.sem_alloc : memref<!tpu.dma_semaphore, #tpu.memory_space<semaphore_mem>>
      %dma_start3A_80 = tpu.memref_slice %arg2[%mul3A_2] : memref<16384xi32, #tpu.memory_space<hbm>> -> memref<512xi32, #tpu.memory_space<hbm>>
      %dma_start3A_81 = tpu.memref_slice %arg2[%mul3A_2] : memref<16384xi32, #tpu.memory_space<hbm>> -> memref<512xi32, #tpu.memory_space<hbm>>
      tpu.enqueue_dma source(%dma_start3A_81 : memref<512xi32, #tpu.memory_space<hbm>>) target(%arg6 : memref<512xi32, #tpu.memory_space<vmem>>) target_semaphore(%run_scoped3A : memref<!tpu.dma_semaphore, #tpu.memory_space<semaphore_mem>>)
      %dma_wait3A_82 = tpu.memref_slice %arg2[%mul3A_2] : memref<16384xi32, #tpu.memory_space<hbm>> -> memref<512xi32, #tpu.memory_space<hbm>>
      %dma_wait3A_83 = tpu.memref_slice %arg2[%mul3A_2] : memref<16384xi32, #tpu.memory_space<hbm>> -> memref<512xi32, #tpu.memory_space<hbm>>
      tpu.wait_dma2 semaphore(%run_scoped3A : memref<!tpu.dma_semaphore, #tpu.memory_space<semaphore_mem>>) src(%dma_wait3A_83 : memref<512xi32, #tpu.memory_space<hbm>>) dst(%arg6 : memref<512xi32, #tpu.memory_space<vmem>>)
      tpu.yield
    }) : () -> ()
    %add3A_3 = arith.constant 0 : i32
    %add3A_4 = arith.addi %mul3A_2, %add3A_3 : i32
    "tpu.region"() ({
      %run_scoped3A = tpu.sem_alloc : memref<!tpu.dma_semaphore, #tpu.memory_space<semaphore_mem>>
      %dma_start3A_80 = arith.constant 0 : i32
      %dma_start3A_81 = tpu.memref_slice %arg4[%add3A_4, %dma_start3A_80] : memref<16384x32xf32, #tpu.memory_space<hbm>> -> memref<256x32xf32, #tpu.memory_space<hbm>>
      %dma_start3A_82 = arith.constant 0 : i32
      %dma_start3A_83 = tpu.memref_slice %arg4[%add3A_4, %dma_start3A_82] : memref<16384x32xf32, #tpu.memory_space<hbm>> -> memref<256x32xf32, #tpu.memory_space<hbm>>
      tpu.enqueue_dma source(%dma_start3A_83 : memref<256x32xf32, #tpu.memory_space<hbm>>) target(%arg8 : memref<256x32xf32, #tpu.memory_space<vmem>>) target_semaphore(%run_scoped3A : memref<!tpu.dma_semaphore, #tpu.memory_space<semaphore_mem>>)
      %dma_wait3A_84 = arith.constant 0 : i32
      %dma_wait3A_85 = tpu.memref_slice %arg4[%add3A_4, %dma_wait3A_84] : memref<16384x32xf32, #tpu.memory_space<hbm>> -> memref<256x32xf32, #tpu.memory_space<hbm>>
      %dma_wait3A_86 = arith.constant 0 : i32
      %dma_wait3A_87 = tpu.memref_slice %arg4[%add3A_4, %dma_wait3A_86] : memref<16384x32xf32, #tpu.memory_space<hbm>> -> memref<256x32xf32, #tpu.memory_space<hbm>>
      tpu.wait_dma2 semaphore(%run_scoped3A : memref<!tpu.dma_semaphore, #tpu.memory_space<semaphore_mem>>) src(%dma_wait3A_87 : memref<256x32xf32, #tpu.memory_space<hbm>>) dst(%arg8 : memref<256x32xf32, #tpu.memory_space<vmem>>)
      tpu.yield
    }) : () -> ()
    %dma_start3A = arith.constant 0 : i32
    %dma_start3A_5 = arith.constant 0 : i32
    %dma_start3A_6 = tpu.memref_slice %arg7[%dma_start3A, %dma_start3A_5] : memref<256x128xf32, #tpu.memory_space<vmem>> -> memref<128x128xf32, #tpu.memory_space<vmem>>
    %dma_start3A_7 = arith.constant 0 : i32
    %dma_start3A_8 = tpu.memref_slice %arg6[%dma_start3A_7] : memref<512xi32, #tpu.memory_space<vmem>> -> memref<128xi32, #tpu.memory_space<vmem>>
    %dma_start3A_9 = arith.constant 0 : i32
    %dma_start3A_10 = arith.constant 0 : i32
    %dma_start3A_11 = tpu.memref_slice %arg3[%dma_start3A_9, %dma_start3A_10] : memref<8192x128xf32, #tpu.memory_space<hbm>> -> memref<8192x128xf32, #tpu.memory_space<hbm>>
    tpu.enqueue_indirect_dma source(%dma_start3A_11 : memref<8192x128xf32, #tpu.memory_space<hbm>>) target(%dma_start3A_6 : memref<128x128xf32, #tpu.memory_space<vmem>>) offsets(%dma_start3A_8 : memref<128xi32, #tpu.memory_space<vmem>>) semaphore(%arg9 : memref<!tpu.dma_semaphore, #tpu.memory_space<semaphore_mem>>)
    %dma_start3A_12 = arith.constant 128 : i32
    %dma_start3A_13 = arith.constant 0 : i32
    %dma_start3A_14 = tpu.memref_slice %arg7[%dma_start3A_12, %dma_start3A_13] : memref<256x128xf32, #tpu.memory_space<vmem>> -> memref<128x128xf32, #tpu.memory_space<vmem>>
    %dma_start3A_15 = arith.constant 128 : i32
    %dma_start3A_16 = tpu.memref_slice %arg6[%dma_start3A_15] : memref<512xi32, #tpu.memory_space<vmem>> -> memref<128xi32, #tpu.memory_space<vmem>>
    %dma_start3A_17 = arith.constant 0 : i32
    %dma_start3A_18 = arith.constant 0 : i32
    %dma_start3A_19 = tpu.memref_slice %arg3[%dma_start3A_17, %dma_start3A_18] : memref<8192x128xf32, #tpu.memory_space<hbm>> -> memref<8192x128xf32, #tpu.memory_space<hbm>>
    tpu.enqueue_indirect_dma source(%dma_start3A_19 : memref<8192x128xf32, #tpu.memory_space<hbm>>) target(%dma_start3A_14 : memref<128x128xf32, #tpu.memory_space<vmem>>) offsets(%dma_start3A_16 : memref<128xi32, #tpu.memory_space<vmem>>) semaphore(%arg9 : memref<!tpu.dma_semaphore, #tpu.memory_space<semaphore_mem>>)
    %dma_wait3A = arith.constant 0 : i32
    %dma_wait3A_20 = arith.constant 0 : i32
    %dma_wait3A_21 = tpu.memref_slice %arg7[%dma_wait3A, %dma_wait3A_20] : memref<256x128xf32, #tpu.memory_space<vmem>> -> memref<128x128xf32, #tpu.memory_space<vmem>>
    %dma_wait3A_22 = arith.constant 0 : i32
    %dma_wait3A_23 = tpu.memref_slice %arg6[%dma_wait3A_22] : memref<512xi32, #tpu.memory_space<vmem>> -> memref<128xi32, #tpu.memory_space<vmem>>
    %dma_wait3A_24 = arith.constant 0 : i32
    %dma_wait3A_25 = arith.constant 0 : i32
    %dma_wait3A_26 = tpu.memref_slice %arg3[%dma_wait3A_24, %dma_wait3A_25] : memref<8192x128xf32, #tpu.memory_space<hbm>> -> memref<8192x128xf32, #tpu.memory_space<hbm>>
    tpu.wait_indirect_dma semaphore(%arg9 : memref<!tpu.dma_semaphore, #tpu.memory_space<semaphore_mem>>) src(%dma_wait3A_26 : memref<8192x128xf32, #tpu.memory_space<hbm>>) dst(%dma_wait3A_21 : memref<128x128xf32, #tpu.memory_space<vmem>>)
    %dma_wait3A_27 = arith.constant 128 : i32
    %dma_wait3A_28 = arith.constant 0 : i32
    %dma_wait3A_29 = tpu.memref_slice %arg7[%dma_wait3A_27, %dma_wait3A_28] : memref<256x128xf32, #tpu.memory_space<vmem>> -> memref<128x128xf32, #tpu.memory_space<vmem>>
    %dma_wait3A_30 = arith.constant 128 : i32
    %dma_wait3A_31 = tpu.memref_slice %arg6[%dma_wait3A_30] : memref<512xi32, #tpu.memory_space<vmem>> -> memref<128xi32, #tpu.memory_space<vmem>>
    %dma_wait3A_32 = arith.constant 0 : i32
    %dma_wait3A_33 = arith.constant 0 : i32
    %dma_wait3A_34 = tpu.memref_slice %arg3[%dma_wait3A_32, %dma_wait3A_33] : memref<8192x128xf32, #tpu.memory_space<hbm>> -> memref<8192x128xf32, #tpu.memory_space<hbm>>
    tpu.wait_indirect_dma semaphore(%arg9 : memref<!tpu.dma_semaphore, #tpu.memory_space<semaphore_mem>>) src(%dma_wait3A_34 : memref<8192x128xf32, #tpu.memory_space<hbm>>) dst(%dma_wait3A_29 : memref<128x128xf32, #tpu.memory_space<vmem>>)
    %scan3A = arith.constant 0 : i32
    %scan3A_35 = arith.constant 0 : i32
    %scan3A_36 = arith.constant 256 : i32
    %scan3A_37 = arith.addi %scan3A_35, %scan3A_36 : i32
    %scan3A_38 = arith.constant 1 : i32
    scf.for %scan3A_80 = %scan3A_35 to %scan3A_37 step %scan3A_38  : i32 {
      %get3A = arith.index_cast %scan3A_80 : i32 to index
      %get3A_81 = arith.constant 0 : index
      %get3A_82 = tpu.vector_load %arg7[%get3A, %get3A_81] {strides = array<i32>} : memref<256x128xf32, #tpu.memory_space<vmem>>, vector<1x16xf32>,
      %get3A_83 = vector.shape_cast %get3A_82 : vector<1x16xf32> to vector<16xf32>
      %get3A_84 = arith.index_cast %scan3A_80 : i32 to index
      %get3A_85 = arith.constant 0 : index
      %get3A_86 = tpu.vector_load %arg8[%get3A_84, %get3A_85] {strides = array<i32>} : memref<256x32xf32, #tpu.memory_space<vmem>>, vector<1x16xf32>,
      %get3A_87 = vector.shape_cast %get3A_86 : vector<1x16xf32> to vector<16xf32>
      %sub3A = arith.subf %get3A_83, %get3A_87 : vector<16xf32>
      %add3A_88 = arith.addf %get3A_87, %sub3A : vector<16xf32>
      %swap3A = arith.index_cast %scan3A_80 : i32 to index
      %swap3A_89 = arith.constant 0 : index
      %swap3A_90 = tpu.vector_load %arg8[%swap3A, %swap3A_89] {strides = array<i32>} : memref<256x32xf32, #tpu.memory_space<vmem>>, vector<1x16xf32>,
      %swap3A_91 = vector.shape_cast %swap3A_90 : vector<1x16xf32> to vector<16xf32>
      %swap3A_92 = vector.shape_cast %add3A_88 : vector<16xf32> to vector<1x16xf32>
      tpu.vector_store %arg8[%swap3A, %swap3A_89], %swap3A_92 {strides = array<i32>} : memref<256x32xf32, #tpu.memory_space<vmem>>, vector<1x16xf32>,
      %get3A_93 = arith.index_cast %scan3A_80 : i32 to index
      %get3A_94 = arith.constant 16 : index
      %get3A_95 = tpu.vector_load %arg7[%get3A_93, %get3A_94] {strides = array<i32>} : memref<256x128xf32, #tpu.memory_space<vmem>>, vector<1x16xf32>,
      %get3A_96 = vector.shape_cast %get3A_95 : vector<1x16xf32> to vector<16xf32>
      %get3A_97 = arith.index_cast %scan3A_80 : i32 to index
      %get3A_98 = arith.constant 16 : index
      %get3A_99 = tpu.vector_load %arg8[%get3A_97, %get3A_98] {strides = array<i32>} : memref<256x32xf32, #tpu.memory_space<vmem>>, vector<1x16xf32>,
      %get3A_100 = vector.shape_cast %get3A_99 : vector<1x16xf32> to vector<16xf32>
      %sub3A_101 = arith.subf %get3A_96, %get3A_100 : vector<16xf32>
      %add3A_102 = arith.addf %get3A_100, %sub3A_101 : vector<16xf32>
      %swap3A_103 = arith.index_cast %scan3A_80 : i32 to index
      %swap3A_104 = arith.constant 16 : index
      %swap3A_105 = tpu.vector_load %arg8[%swap3A_103, %swap3A_104] {strides = array<i32>} : memref<256x32xf32, #tpu.memory_space<vmem>>, vector<1x16xf32>,
      %swap3A_106 = vector.shape_cast %swap3A_105 : vector<1x16xf32> to vector<16xf32>
      %swap3A_107 = vector.shape_cast %add3A_102 : vector<16xf32> to vector<1x16xf32>
      tpu.vector_store %arg8[%swap3A_103, %swap3A_104], %swap3A_107 {strides = array<i32>} : memref<256x32xf32, #tpu.memory_space<vmem>>, vector<1x16xf32>,
    }
    %scan3A_39 = arith.constant 256 : i32
    "tpu.region"() ({
      %run_scoped3A = tpu.sem_alloc : memref<!tpu.dma_semaphore, #tpu.memory_space<semaphore_mem>>
      %dma_start3A_80 = arith.constant 0 : i32
      %dma_start3A_81 = tpu.memref_slice %arg5[%add3A_4, %dma_start3A_80] : memref<16384x32xf32, #tpu.memory_space<hbm>> -> memref<256x32xf32, #tpu.memory_space<hbm>>
      %dma_start3A_82 = arith.constant 0 : i32
      %dma_start3A_83 = tpu.memref_slice %arg5[%add3A_4, %dma_start3A_82] : memref<16384x32xf32, #tpu.memory_space<hbm>> -> memref<256x32xf32, #tpu.memory_space<hbm>>
      tpu.enqueue_dma source(%arg8 : memref<256x32xf32, #tpu.memory_space<vmem>>) target(%dma_start3A_83 : memref<256x32xf32, #tpu.memory_space<hbm>>) target_semaphore(%run_scoped3A : memref<!tpu.dma_semaphore, #tpu.memory_space<semaphore_mem>>)
      %dma_wait3A_84 = arith.constant 0 : i32
      %dma_wait3A_85 = tpu.memref_slice %arg5[%add3A_4, %dma_wait3A_84] : memref<16384x32xf32, #tpu.memory_space<hbm>> -> memref<256x32xf32, #tpu.memory_space<hbm>>
      %dma_wait3A_86 = arith.constant 0 : i32
      %dma_wait3A_87 = tpu.memref_slice %arg5[%add3A_4, %dma_wait3A_86] : memref<16384x32xf32, #tpu.memory_space<hbm>> -> memref<256x32xf32, #tpu.memory_space<hbm>>
      tpu.wait_dma2 semaphore(%run_scoped3A : memref<!tpu.dma_semaphore, #tpu.memory_space<semaphore_mem>>) src(%arg8 : memref<256x32xf32, #tpu.memory_space<vmem>>) dst(%dma_wait3A_87 : memref<256x32xf32, #tpu.memory_space<hbm>>)
      tpu.yield
    }) : () -> ()
    %add3A_40 = arith.constant 256 : i32
    %add3A_41 = arith.addi %mul3A_2, %add3A_40 : i32
    "tpu.region"() ({
      %run_scoped3A = tpu.sem_alloc : memref<!tpu.dma_semaphore, #tpu.memory_space<semaphore_mem>>
      %dma_start3A_80 = arith.constant 0 : i32
      %dma_start3A_81 = tpu.memref_slice %arg4[%add3A_41, %dma_start3A_80] : memref<16384x32xf32, #tpu.memory_space<hbm>> -> memref<256x32xf32, #tpu.memory_space<hbm>>
      %dma_start3A_82 = arith.constant 0 : i32
      %dma_start3A_83 = tpu.memref_slice %arg4[%add3A_41, %dma_start3A_82] : memref<16384x32xf32, #tpu.memory_space<hbm>> -> memref<256x32xf32, #tpu.memory_space<hbm>>
      tpu.enqueue_dma source(%dma_start3A_83 : memref<256x32xf32, #tpu.memory_space<hbm>>) target(%arg8 : memref<256x32xf32, #tpu.memory_space<vmem>>) target_semaphore(%run_scoped3A : memref<!tpu.dma_semaphore, #tpu.memory_space<semaphore_mem>>)
      %dma_wait3A_84 = arith.constant 0 : i32
      %dma_wait3A_85 = tpu.memref_slice %arg4[%add3A_41, %dma_wait3A_84] : memref<16384x32xf32, #tpu.memory_space<hbm>> -> memref<256x32xf32, #tpu.memory_space<hbm>>
      %dma_wait3A_86 = arith.constant 0 : i32
      %dma_wait3A_87 = tpu.memref_slice %arg4[%add3A_41, %dma_wait3A_86] : memref<16384x32xf32, #tpu.memory_space<hbm>> -> memref<256x32xf32, #tpu.memory_space<hbm>>
      tpu.wait_dma2 semaphore(%run_scoped3A : memref<!tpu.dma_semaphore, #tpu.memory_space<semaphore_mem>>) src(%dma_wait3A_87 : memref<256x32xf32, #tpu.memory_space<hbm>>) dst(%arg8 : memref<256x32xf32, #tpu.memory_space<vmem>>)
      tpu.yield
    }) : () -> ()
    %dma_start3A_42 = arith.constant 0 : i32
    %dma_start3A_43 = arith.constant 0 : i32
    %dma_start3A_44 = tpu.memref_slice %arg7[%dma_start3A_42, %dma_start3A_43] : memref<256x128xf32, #tpu.memory_space<vmem>> -> memref<128x128xf32, #tpu.memory_space<vmem>>
    %dma_start3A_45 = arith.constant 256 : i32
    %dma_start3A_46 = tpu.memref_slice %arg6[%dma_start3A_45] : memref<512xi32, #tpu.memory_space<vmem>> -> memref<128xi32, #tpu.memory_space<vmem>>
    %dma_start3A_47 = arith.constant 0 : i32
    %dma_start3A_48 = arith.constant 0 : i32
    %dma_start3A_49 = tpu.memref_slice %arg3[%dma_start3A_47, %dma_start3A_48] : memref<8192x128xf32, #tpu.memory_space<hbm>> -> memref<8192x128xf32, #tpu.memory_space<hbm>>
    tpu.enqueue_indirect_dma source(%dma_start3A_49 : memref<8192x128xf32, #tpu.memory_space<hbm>>) target(%dma_start3A_44 : memref<128x128xf32, #tpu.memory_space<vmem>>) offsets(%dma_start3A_46 : memref<128xi32, #tpu.memory_space<vmem>>) semaphore(%arg9 : memref<!tpu.dma_semaphore, #tpu.memory_space<semaphore_mem>>)
    %dma_start3A_50 = arith.constant 128 : i32
    %dma_start3A_51 = arith.constant 0 : i32
    %dma_start3A_52 = tpu.memref_slice %arg7[%dma_start3A_50, %dma_start3A_51] : memref<256x128xf32, #tpu.memory_space<vmem>> -> memref<128x128xf32, #tpu.memory_space<vmem>>
    %dma_start3A_53 = arith.constant 384 : i32
    %dma_start3A_54 = tpu.memref_slice %arg6[%dma_start3A_53] : memref<512xi32, #tpu.memory_space<vmem>> -> memref<128xi32, #tpu.memory_space<vmem>>
    %dma_start3A_55 = arith.constant 0 : i32
    %dma_start3A_56 = arith.constant 0 : i32
    %dma_start3A_57 = tpu.memref_slice %arg3[%dma_start3A_55, %dma_start3A_56] : memref<8192x128xf32, #tpu.memory_space<hbm>> -> memref<8192x128xf32, #tpu.memory_space<hbm>>
    tpu.enqueue_indirect_dma source(%dma_start3A_57 : memref<8192x128xf32, #tpu.memory_space<hbm>>) target(%dma_start3A_52 : memref<128x128xf32, #tpu.memory_space<vmem>>) offsets(%dma_start3A_54 : memref<128xi32, #tpu.memory_space<vmem>>) semaphore(%arg9 : memref<!tpu.dma_semaphore, #tpu.memory_space<semaphore_mem>>)
    %dma_wait3A_58 = arith.constant 0 : i32
    %dma_wait3A_59 = arith.constant 0 : i32
    %dma_wait3A_60 = tpu.memref_slice %arg7[%dma_wait3A_58, %dma_wait3A_59] : memref<256x128xf32, #tpu.memory_space<vmem>> -> memref<128x128xf32, #tpu.memory_space<vmem>>
    %dma_wait3A_61 = arith.constant 256 : i32
    %dma_wait3A_62 = tpu.memref_slice %arg6[%dma_wait3A_61] : memref<512xi32, #tpu.memory_space<vmem>> -> memref<128xi32, #tpu.memory_space<vmem>>
    %dma_wait3A_63 = arith.constant 0 : i32
    %dma_wait3A_64 = arith.constant 0 : i32
    %dma_wait3A_65 = tpu.memref_slice %arg3[%dma_wait3A_63, %dma_wait3A_64] : memref<8192x128xf32, #tpu.memory_space<hbm>> -> memref<8192x128xf32, #tpu.memory_space<hbm>>
    tpu.wait_indirect_dma semaphore(%arg9 : memref<!tpu.dma_semaphore, #tpu.memory_space<semaphore_mem>>) src(%dma_wait3A_65 : memref<8192x128xf32, #tpu.memory_space<hbm>>) dst(%dma_wait3A_60 : memref<128x128xf32, #tpu.memory_space<vmem>>)
    %dma_wait3A_66 = arith.constant 128 : i32
    %dma_wait3A_67 = arith.constant 0 : i32
    %dma_wait3A_68 = tpu.memref_slice %arg7[%dma_wait3A_66, %dma_wait3A_67] : memref<256x128xf32, #tpu.memory_space<vmem>> -> memref<128x128xf32, #tpu.memory_space<vmem>>
    %dma_wait3A_69 = arith.constant 384 : i32
    %dma_wait3A_70 = tpu.memref_slice %arg6[%dma_wait3A_69] : memref<512xi32, #tpu.memory_space<vmem>> -> memref<128xi32, #tpu.memory_space<vmem>>
    %dma_wait3A_71 = arith.constant 0 : i32
    %dma_wait3A_72 = arith.constant 0 : i32
    %dma_wait3A_73 = tpu.memref_slice %arg3[%dma_wait3A_71, %dma_wait3A_72] : memref<8192x128xf32, #tpu.memory_space<hbm>> -> memref<8192x128xf32, #tpu.memory_space<hbm>>
    tpu.wait_indirect_dma semaphore(%arg9 : memref<!tpu.dma_semaphore, #tpu.memory_space<semaphore_mem>>) src(%dma_wait3A_73 : memref<8192x128xf32, #tpu.memory_space<hbm>>) dst(%dma_wait3A_68 : memref<128x128xf32, #tpu.memory_space<vmem>>)
    %scan3A_74 = arith.constant 0 : i32
    %scan3A_75 = arith.constant 0 : i32
    %scan3A_76 = arith.constant 256 : i32
    %scan3A_77 = arith.addi %scan3A_75, %scan3A_76 : i32
    %scan3A_78 = arith.constant 1 : i32
    scf.for %scan3A_80 = %scan3A_75 to %scan3A_77 step %scan3A_78  : i32 {
      %get3A = arith.index_cast %scan3A_80 : i32 to index
      %get3A_81 = arith.constant 0 : index
      %get3A_82 = tpu.vector_load %arg7[%get3A, %get3A_81] {strides = array<i32>} : memref<256x128xf32, #tpu.memory_space<vmem>>, vector<1x16xf32>,
      %get3A_83 = vector.shape_cast %get3A_82 : vector<1x16xf32> to vector<16xf32>
      %get3A_84 = arith.index_cast %scan3A_80 : i32 to index
      %get3A_85 = arith.constant 0 : index
      %get3A_86 = tpu.vector_load %arg8[%get3A_84, %get3A_85] {strides = array<i32>} : memref<256x32xf32, #tpu.memory_space<vmem>>, vector<1x16xf32>,
      %get3A_87 = vector.shape_cast %get3A_86 : vector<1x16xf32> to vector<16xf32>
      %sub3A = arith.subf %get3A_83, %get3A_87 : vector<16xf32>
      %add3A_88 = arith.addf %get3A_87, %sub3A : vector<16xf32>
      %swap3A = arith.index_cast %scan3A_80 : i32 to index
      %swap3A_89 = arith.constant 0 : index
      %swap3A_90 = tpu.vector_load %arg8[%swap3A, %swap3A_89] {strides = array<i32>} : memref<256x32xf32, #tpu.memory_space<vmem>>, vector<1x16xf32>,
      %swap3A_91 = vector.shape_cast %swap3A_90 : vector<1x16xf32> to vector<16xf32>
      %swap3A_92 = vector.shape_cast %add3A_88 : vector<16xf32> to vector<1x16xf32>
      tpu.vector_store %arg8[%swap3A, %swap3A_89], %swap3A_92 {strides = array<i32>} : memref<256x32xf32, #tpu.memory_space<vmem>>, vector<1x16xf32>,
      %get3A_93 = arith.index_cast %scan3A_80 : i32 to index
      %get3A_94 = arith.constant 16 : index
      %get3A_95 = tpu.vector_load %arg7[%get3A_93, %get3A_94] {strides = array<i32>} : memref<256x128xf32, #tpu.memory_space<vmem>>, vector<1x16xf32>,
      %get3A_96 = vector.shape_cast %get3A_95 : vector<1x16xf32> to vector<16xf32>
      %get3A_97 = arith.index_cast %scan3A_80 : i32 to index
      %get3A_98 = arith.constant 16 : index
      %get3A_99 = tpu.vector_load %arg8[%get3A_97, %get3A_98] {strides = array<i32>} : memref<256x32xf32, #tpu.memory_space<vmem>>, vector<1x16xf32>,
      %get3A_100 = vector.shape_cast %get3A_99 : vector<1x16xf32> to vector<16xf32>
      %sub3A_101 = arith.subf %get3A_96, %get3A_100 : vector<16xf32>
      %add3A_102 = arith.addf %get3A_100, %sub3A_101 : vector<16xf32>
      %swap3A_103 = arith.index_cast %scan3A_80 : i32 to index
      %swap3A_104 = arith.constant 16 : index
      %swap3A_105 = tpu.vector_load %arg8[%swap3A_103, %swap3A_104] {strides = array<i32>} : memref<256x32xf32, #tpu.memory_space<vmem>>, vector<1x16xf32>,
      %swap3A_106 = vector.shape_cast %swap3A_105 : vector<1x16xf32> to vector<16xf32>
      %swap3A_107 = vector.shape_cast %add3A_102 : vector<16xf32> to vector<1x16xf32>
      tpu.vector_store %arg8[%swap3A_103, %swap3A_104], %swap3A_107 {strides = array<i32>} : memref<256x32xf32, #tpu.memory_space<vmem>>, vector<1x16xf32>,
    }
    %scan3A_79 = arith.constant 256 : i32
    "tpu.region"() ({
      %run_scoped3A = tpu.sem_alloc : memref<!tpu.dma_semaphore, #tpu.memory_space<semaphore_mem>>
      %dma_start3A_80 = arith.constant 0 : i32
      %dma_start3A_81 = tpu.memref_slice %arg5[%add3A_41, %dma_start3A_80] : memref<16384x32xf32, #tpu.memory_space<hbm>> -> memref<256x32xf32, #tpu.memory_space<hbm>>
      %dma_start3A_82 = arith.constant 0 : i32
      %dma_start3A_83 = tpu.memref_slice %arg5[%add3A_41, %dma_start3A_82] : memref<16384x32xf32, #tpu.memory_space<hbm>> -> memref<256x32xf32, #tpu.memory_space<hbm>>
      tpu.enqueue_dma source(%arg8 : memref<256x32xf32, #tpu.memory_space<vmem>>) target(%dma_start3A_83 : memref<256x32xf32, #tpu.memory_space<hbm>>) target_semaphore(%run_scoped3A : memref<!tpu.dma_semaphore, #tpu.memory_space<semaphore_mem>>)
      %dma_wait3A_84 = arith.constant 0 : i32
      %dma_wait3A_85 = tpu.memref_slice %arg5[%add3A_41, %dma_wait3A_84] : memref<16384x32xf32, #tpu.memory_space<hbm>> -> memref<256x32xf32, #tpu.memory_space<hbm>>
      %dma_wait3A_86 = arith.constant 0 : i32
      %dma_wait3A_87 = tpu.memref_slice %arg5[%add3A_41, %dma_wait3A_86] : memref<16384x32xf32, #tpu.memory_space<hbm>> -> memref<256x32xf32, #tpu.memory_space<hbm>>
      tpu.wait_dma2 semaphore(%run_scoped3A : memref<!tpu.dma_semaphore, #tpu.memory_space<semaphore_mem>>) src(%arg8 : memref<256x32xf32, #tpu.memory_space<vmem>>) dst(%dma_wait3A_87 : memref<256x32xf32, #tpu.memory_space<hbm>>)
      tpu.yield
    }) : () -> ()
    return
  }
}

module attributes {stable_mosaic.version = 14 : i64} {
  func.func @_vq_body(%arg0: i32, %arg1: memref<256x32xf32, #tpu.memory_space<vmem>>, %arg2: memref<32x8192xf32, #tpu.memory_space<vmem>>, %arg3: memref<256x1xf32, #tpu.memory_space<vmem>>, %arg4: memref<1x8192xf32, #tpu.memory_space<vmem>>, %arg5: memref<256x8192xf32, #tpu.memory_space<vmem>>, %arg6: memref<256x1xi32, #tpu.memory_space<vmem>>, %arg7: memref<1x1xf32, #tpu.memory_space<vmem>>, %arg8: memref<1x1xf32, #tpu.memory_space<vmem>>, %arg9: memref<1x8192xf32, #tpu.memory_space<vmem>>, %arg10: memref<1xf32, #tpu.memory_space<smem>>) attributes {dimension_semantics = [#tpu.dimension_semantics<arbitrary>], iteration_bounds = array<i64: 64>, scalar_prefetch = 0 : i64, scratch_operands = 2 : i64, tpu.core_type = #tpu.core_type<tc>, window_params = [{transform_indices = @transform_0, window_bounds = array<i64: 256, 32>}, {pipeline_mode = #tpu.pipeline_mode<synchronous>, transform_indices = @transform_1, window_bounds = array<i64: 32, 8192>}, {transform_indices = @transform_2, window_bounds = array<i64: 256, 1>}, {pipeline_mode = #tpu.pipeline_mode<synchronous>, transform_indices = @transform_3, window_bounds = array<i64: 1, 8192>}, {transform_indices = @transform_4, window_bounds = array<i64: 256, 8192>}, {transform_indices = @transform_5, window_bounds = array<i64: 256, 1>}, {pipeline_mode = #tpu.pipeline_mode<synchronous>, transform_indices = @transform_6, window_bounds = array<i64: 1, 1>}, {pipeline_mode = #tpu.pipeline_mode<synchronous>, transform_indices = @transform_7, window_bounds = array<i64: 1, 1>}]} {
    %get3A = arith.constant 0 : index
    %get3A_0 = arith.constant 0 : index
    %get3A_1 = vector.load %arg1[%get3A, %get3A_0] : memref<256x32xf32, #tpu.memory_space<vmem>>, vector<256x32xf32>
    %convert_element_type3A = arith.truncf %get3A_1 : vector<256x32xf32> to vector<256x32xbf16>
    %get3A_2 = arith.constant 0 : index
    %get3A_3 = arith.constant 0 : index
    %get3A_4 = vector.load %arg2[%get3A_2, %get3A_3] : memref<32x8192xf32, #tpu.memory_space<vmem>>, vector<32x8192xf32>
    %convert_element_type3A_5 = arith.truncf %get3A_4 : vector<32x8192xf32> to vector<32x8192xbf16>
    %dot_general3A = arith.constant dense<0.000000e+00> : vector<256x8192xf32>
    %dot_general3A_6 = tpu.matmul %convert_element_type3A, %convert_element_type3A_5, %dot_general3A {dimension_numbers = #tpu.dot_dimension_numbers<[1], [0], [0], [1], [0, 0, 1, 1], [], []>, transpose_lhs_hint = false} : vector<256x32xbf16>, vector<32x8192xbf16>, vector<256x8192xf32> -> vector<256x8192xf32>
    %get3A_7 = arith.constant 0 : index
    %get3A_8 = arith.constant 0 : index
    %get3A_9 = vector.load %arg3[%get3A_7, %get3A_8] : memref<256x1xf32, #tpu.memory_space<vmem>>, vector<256x1xf32>
    %get3A_10 = arith.constant 0 : index
    %get3A_11 = arith.constant 0 : index
    %get3A_12 = vector.load %arg4[%get3A_10, %get3A_11] : memref<1x8192xf32, #tpu.memory_space<vmem>>, vector<1x8192xf32>
    %add3A = vector.broadcast %get3A_9 : vector<256x1xf32> to vector<256x8192xf32>
    %add3A_13 = vector.broadcast %get3A_12 : vector<1x8192xf32> to vector<256x8192xf32>
    %add3A_14 = arith.addf %add3A, %add3A_13 : vector<256x8192xf32>
    %mul3A = arith.constant 2.000000e+00 : f32
    %mul3A_15 = vector.broadcast %mul3A : f32 to vector<256x8192xf32>
    %mul3A_16 = arith.mulf %mul3A_15, %dot_general3A_6 : vector<256x8192xf32>
    %sub3A = arith.subf %add3A_14, %mul3A_16 : vector<256x8192xf32>
    %iota3A = tpu.iota {dimensions = array<i32: 1>} : vector<256x8192xi32>
    %slice3A = vector.extract_strided_slice %sub3A {offsets = [0, 0], sizes = [256, 4096], strides = [1, 1]} : vector<256x8192xf32> to vector<256x4096xf32>
    %slice3A_17 = vector.extract_strided_slice %sub3A {offsets = [0, 4096], sizes = [256, 4096], strides = [1, 1]} : vector<256x8192xf32> to vector<256x4096xf32>
    %reduce_min3A = arith.constant dense<0x7F800000> : vector<256xf32>
    %reduce_min3A_18 = vector.multi_reduction <minimumf>, %slice3A, %reduce_min3A [1] : vector<256x4096xf32> to vector<256xf32>
    %broadcast_in_dim3A = vector.shape_cast %reduce_min3A_18 : vector<256xf32> to vector<256x1xf32>
    %eq3A = vector.broadcast %broadcast_in_dim3A : vector<256x1xf32> to vector<256x4096xf32>
    %eq3A_19 = arith.cmpf oeq, %slice3A, %eq3A : vector<256x4096xf32>
    %slice3A_20 = vector.extract_strided_slice %iota3A {offsets = [0, 0], sizes = [256, 4096], strides = [1, 1]} : vector<256x8192xi32> to vector<256x4096xi32>
    %jit3A = arith.constant 8192 : i32
    %broadcast_in_dim3A_21 = vector.broadcast %jit3A : i32 to vector<256x4096xi32>
    %select_n3A = arith.select %eq3A_19, %slice3A_20, %broadcast_in_dim3A_21 : vector<256x4096xi1>, vector<256x4096xi32>
    %reduce_min3A_22 = arith.constant dense<2147483647> : vector<256xi32>
    %reduce_min3A_23 = vector.multi_reduction <minsi>, %select_n3A, %reduce_min3A_22 [1] : vector<256x4096xi32> to vector<256xi32>
    %broadcast_in_dim3A_24 = vector.shape_cast %reduce_min3A_23 : vector<256xi32> to vector<256x1xi32>
    %reduce_min3A_25 = arith.constant dense<0x7F800000> : vector<256xf32>
    %reduce_min3A_26 = vector.multi_reduction <minimumf>, %slice3A_17, %reduce_min3A_25 [1] : vector<256x4096xf32> to vector<256xf32>
    %broadcast_in_dim3A_27 = vector.shape_cast %reduce_min3A_26 : vector<256xf32> to vector<256x1xf32>
    %eq3A_28 = vector.broadcast %broadcast_in_dim3A_27 : vector<256x1xf32> to vector<256x4096xf32>
    %eq3A_29 = arith.cmpf oeq, %slice3A_17, %eq3A_28 : vector<256x4096xf32>
    %slice3A_30 = vector.extract_strided_slice %iota3A {offsets = [0, 4096], sizes = [256, 4096], strides = [1, 1]} : vector<256x8192xi32> to vector<256x4096xi32>
    %jit3A_31 = arith.constant 8192 : i32
    %broadcast_in_dim3A_32 = vector.broadcast %jit3A_31 : i32 to vector<256x4096xi32>
    %select_n3A_33 = arith.select %eq3A_29, %slice3A_30, %broadcast_in_dim3A_32 : vector<256x4096xi1>, vector<256x4096xi32>
    %reduce_min3A_34 = arith.constant dense<2147483647> : vector<256xi32>
    %reduce_min3A_35 = vector.multi_reduction <minsi>, %select_n3A_33, %reduce_min3A_34 [1] : vector<256x4096xi32> to vector<256xi32>
    %broadcast_in_dim3A_36 = vector.shape_cast %reduce_min3A_35 : vector<256xi32> to vector<256x1xi32>
    %bitcast_convert_type3A = tpu.bitcast %broadcast_in_dim3A : vector<256x1xf32> -> vector<256x1xi32>
    %shift_right_logical3A = arith.constant 16 : i32
    %shift_right_logical3A_37 = vector.broadcast %shift_right_logical3A : i32 to vector<256x1xi32>
    %shift_right_logical3A_38 = arith.shrui %bitcast_convert_type3A, %shift_right_logical3A_37 : vector<256x1xi32>
    %and3A = arith.constant 1 : i32
    %and3A_39 = vector.broadcast %and3A : i32 to vector<256x1xi32>
    %and3A_40 = arith.andi %shift_right_logical3A_38, %and3A_39 : vector<256x1xi32>
    %add3A_41 = arith.constant 32767 : i32
    %add3A_42 = vector.broadcast %add3A_41 : i32 to vector<256x1xi32>
    %add3A_43 = arith.addi %bitcast_convert_type3A, %add3A_42 : vector<256x1xi32>
    %add3A_44 = arith.addi %add3A_43, %and3A_40 : vector<256x1xi32>
    %and3A_45 = arith.constant -65536 : i32
    %and3A_46 = vector.broadcast %and3A_45 : i32 to vector<256x1xi32>
    %and3A_47 = arith.andi %add3A_44, %and3A_46 : vector<256x1xi32>
    %bitcast_convert_type3A_48 = tpu.bitcast %and3A_47 : vector<256x1xi32> -> vector<256x1xf32>
    %le3A = arith.cmpf ole, %bitcast_convert_type3A_48, %broadcast_in_dim3A_27 : vector<256x1xf32>
    %select_n3A_49 = arith.select %le3A, %broadcast_in_dim3A_24, %broadcast_in_dim3A_36 : vector<256x1xi1>, vector<256x1xi32>
    %select_n3A_50 = arith.select %le3A, %broadcast_in_dim3A, %broadcast_in_dim3A_27 : vector<256x1xi1>, vector<256x1xf32>
    %swap3A = arith.constant 0 : index
    %swap3A_51 = arith.constant 0 : index
    %swap3A_52 = vector.load %arg6[%swap3A, %swap3A_51] : memref<256x1xi32, #tpu.memory_space<vmem>>, vector<256x1xi32>
    tpu.vector_store %arg6[%swap3A, %swap3A_51], %select_n3A_49 {strides = array<i32>} : memref<256x1xi32, #tpu.memory_space<vmem>>, vector<256x1xi32>,
    %eq3A_53 = vector.broadcast %select_n3A_49 : vector<256x1xi32> to vector<256x8192xi32>
    %eq3A_54 = arith.cmpi eq, %iota3A, %eq3A_53 : vector<256x8192xi32>
    %convert_element_type3A_55 = arith.extui %eq3A_54 : vector<256x8192xi1> to vector<256x8192xi32>
    %convert_element_type3A_56 = arith.sitofp %convert_element_type3A_55 : vector<256x8192xi32> to vector<256x8192xf32>
    %convert_element_type3A_57 = arith.truncf %convert_element_type3A_56 : vector<256x8192xf32> to vector<256x8192xbf16>
    %convert_element_type3A_58 = arith.extf %convert_element_type3A_57 : vector<256x8192xbf16> to vector<256x8192xf32>
    %swap3A_59 = arith.constant 0 : index
    %swap3A_60 = arith.constant 0 : index
    %swap3A_61 = vector.load %arg5[%swap3A_59, %swap3A_60] : memref<256x8192xf32, #tpu.memory_space<vmem>>, vector<256x8192xf32>
    tpu.vector_store %arg5[%swap3A_59, %swap3A_60], %convert_element_type3A_58 {strides = array<i32>} : memref<256x8192xf32, #tpu.memory_space<vmem>>, vector<256x8192xf32>,
    %eq3A_62 = arith.constant 0 : i32
    %eq3A_63 = arith.cmpi eq, %arg0, %eq3A_62 : i32
    %convert_element_type3A_64 = arith.extui %eq3A_63 : i1 to i32
    %cond3A = arith.constant 0 : i32
    %cond3A_65 = arith.cmpi ne, %convert_element_type3A_64, %cond3A : i32
    scf.if %cond3A_65 {
      %broadcast_in_dim3A_91 = arith.constant 0.000000e+00 : f32
      %broadcast_in_dim3A_92 = vector.broadcast %broadcast_in_dim3A_91 : f32 to vector<1x8192xf32>
      %swap3A_93 = arith.constant 0 : index
      %swap3A_94 = arith.constant 0 : index
      %swap3A_95 = vector.load %arg9[%swap3A_93, %swap3A_94] : memref<1x8192xf32, #tpu.memory_space<vmem>>, vector<1x8192xf32>
      tpu.vector_store %arg9[%swap3A_93, %swap3A_94], %broadcast_in_dim3A_92 {strides = array<i32>} : memref<1x8192xf32, #tpu.memory_space<vmem>>, vector<1x8192xf32>,
      %swap3A_96 = arith.constant 0.000000e+00 : f32
      %swap3A_97 = arith.constant 0 : index
      %swap3A_98 = memref.load %arg10[%swap3A_97] : memref<1xf32, #tpu.memory_space<smem>>
      memref.store %swap3A_96, %arg10[%swap3A_97] : memref<1xf32, #tpu.memory_space<smem>>
    } else {
    }
    %get3A_66 = arith.constant 0 : index
    %get3A_67 = arith.constant 0 : index
    %get3A_68 = vector.load %arg9[%get3A_66, %get3A_67] : memref<1x8192xf32, #tpu.memory_space<vmem>>, vector<1x8192xf32>
    %broadcast_in_dim3A_69 = arith.constant 1.000000e+00 : bf16
    %broadcast_in_dim3A_70 = vector.broadcast %broadcast_in_dim3A_69 : bf16 to vector<1x256xbf16>
    %dot_general3A_71 = arith.constant dense<0.000000e+00> : vector<1x8192xf32>
    %dot_general3A_72 = tpu.matmul %broadcast_in_dim3A_70, %convert_element_type3A_57, %dot_general3A_71 {dimension_numbers = #tpu.dot_dimension_numbers<[1], [0], [0], [1], [0, 0, 1, 1], [], []>, transpose_lhs_hint = false} : vector<1x256xbf16>, vector<256x8192xbf16>, vector<1x8192xf32> -> vector<1x8192xf32>
    %add3A_73 = arith.addf %get3A_68, %dot_general3A_72 : vector<1x8192xf32>
    %swap3A_74 = arith.constant 0 : index
    %swap3A_75 = arith.constant 0 : index
    %swap3A_76 = vector.load %arg9[%swap3A_74, %swap3A_75] : memref<1x8192xf32, #tpu.memory_space<vmem>>, vector<1x8192xf32>
    tpu.vector_store %arg9[%swap3A_74, %swap3A_75], %add3A_73 {strides = array<i32>} : memref<1x8192xf32, #tpu.memory_space<vmem>>, vector<1x8192xf32>,
    %get3A_77 = arith.constant 0 : index
    %get3A_78 = memref.load %arg10[%get3A_77] : memref<1xf32, #tpu.memory_space<smem>>
    %reduce_sum3A = vector.shape_cast %select_n3A_50 : vector<256x1xf32> to vector<1x256x1xf32>
    %reduce_sum3A_79 = arith.constant dense<0.000000e+00> : vector<1xf32>
    %reduce_sum3A_80 = vector.multi_reduction <add>, %reduce_sum3A, %reduce_sum3A_79 [1, 2] : vector<1x256x1xf32> to vector<1xf32>
    %reduce_sum3A_81 = vector.shape_cast %reduce_sum3A_80 : vector<1xf32> to vector<1x1x1xf32>
    %reduce_sum3A_82 = vector.extract %reduce_sum3A_81[0, 0, 0] : f32 from vector<1x1x1xf32>
    %add3A_83 = arith.addf %get3A_78, %reduce_sum3A_82 : f32
    %swap3A_84 = arith.constant 0 : index
    %swap3A_85 = memref.load %arg10[%swap3A_84] : memref<1xf32, #tpu.memory_space<smem>>
    memref.store %add3A_83, %arg10[%swap3A_84] : memref<1xf32, #tpu.memory_space<smem>>
    %eq3A_86 = arith.constant 63 : i32
    %eq3A_87 = arith.cmpi eq, %arg0, %eq3A_86 : i32
    %convert_element_type3A_88 = arith.extui %eq3A_87 : i1 to i32
    %cond3A_89 = arith.constant 0 : i32
    %cond3A_90 = arith.cmpi ne, %convert_element_type3A_88, %cond3A_89 : i32
    scf.if %cond3A_90 {
      %get3A_91 = arith.constant 0 : index
      %get3A_92 = arith.constant 0 : index
      %get3A_93 = vector.load %arg9[%get3A_91, %get3A_92] : memref<1x8192xf32, #tpu.memory_space<vmem>>, vector<1x8192xf32>
      %div3A = arith.constant 1.638400e+04 : f32
      %div3A_94 = vector.broadcast %div3A : f32 to vector<1x8192xf32>
      %div3A_95 = arith.divf %get3A_93, %div3A_94 : vector<1x8192xf32>
      %add3A_96 = arith.constant 1.000000e-10 : f32
      %add3A_97 = vector.broadcast %add3A_96 : f32 to vector<1x8192xf32>
      %add3A_98 = arith.addf %div3A_95, %add3A_97 : vector<1x8192xf32>
      %log3A = math.log %add3A_98 : vector<1x8192xf32>
      %mul3A_99 = arith.mulf %div3A_95, %log3A : vector<1x8192xf32>
      %reduce_sum3A_100 = arith.constant dense<0.000000e+00> : vector<1xf32>
      %reduce_sum3A_101 = vector.multi_reduction <add>, %mul3A_99, %reduce_sum3A_100 [1] : vector<1x8192xf32> to vector<1xf32>
      %broadcast_in_dim3A_102 = vector.shape_cast %reduce_sum3A_101 : vector<1xf32> to vector<1x1xf32>
      %neg3A = arith.constant 0.000000e+00 : f32
      %neg3A_103 = vector.broadcast %neg3A : f32 to vector<1x1xf32>
      %neg3A_104 = arith.subf %neg3A_103, %broadcast_in_dim3A_102 : vector<1x1xf32>
      %exp3A = math.exp %neg3A_104 : vector<1x1xf32>
      %swap3A_105 = arith.constant 0 : index
      %swap3A_106 = arith.constant 0 : index
      %swap3A_107 = vector.load %arg8[%swap3A_105, %swap3A_106] : memref<1x1xf32, #tpu.memory_space<vmem>>, vector<1x1xf32>
      tpu.vector_store %arg8[%swap3A_105, %swap3A_106], %exp3A {strides = array<i32>} : memref<1x1xf32, #tpu.memory_space<vmem>>, vector<1x1xf32>,
      %get3A_108 = arith.constant 0 : index
      %get3A_109 = memref.load %arg10[%get3A_108] : memref<1xf32, #tpu.memory_space<smem>>
      %div3A_110 = arith.constant 5.242880e+05 : f32
      %div3A_111 = arith.divf %get3A_109, %div3A_110 : f32
      %mul3A_112 = arith.constant 2.500000e-01 : f32
      %mul3A_113 = arith.mulf %mul3A_112, %div3A_111 : f32
      %add3A_114 = arith.addf %div3A_111, %mul3A_113 : f32
      %broadcast_in_dim3A_115 = vector.broadcast %add3A_114 : f32 to vector<1x1xf32>
      %swap3A_116 = arith.constant 0 : index
      %swap3A_117 = arith.constant 0 : index
      %swap3A_118 = vector.load %arg7[%swap3A_116, %swap3A_117] : memref<1x1xf32, #tpu.memory_space<vmem>>, vector<1x1xf32>
      tpu.vector_store %arg7[%swap3A_116, %swap3A_117], %broadcast_in_dim3A_115 {strides = array<i32>} : memref<1x1xf32, #tpu.memory_space<vmem>>, vector<1x1xf32>,
    } else {
    }
    return
  }
  func.func @transform_0(%arg0: i32) -> (i32, i32) {
    %c0_i32 = arith.constant 0 : i32
    %c0_i32_0 = arith.constant 0 : i32
    return %arg0, %c0_i32 : i32, i32
  }
  func.func @transform_1(%arg0: i32) -> (i32, i32) {
    %c0_i32 = arith.constant 0 : i32
    %c0_i32_0 = arith.constant 0 : i32
    %c0_i32_1 = arith.constant 0 : i32
    return %c0_i32, %c0_i32_0 : i32, i32
  }
  func.func @transform_2(%arg0: i32) -> (i32, i32) {
    %c0_i32 = arith.constant 0 : i32
    %c0_i32_0 = arith.constant 0 : i32
    return %arg0, %c0_i32 : i32, i32
  }
  func.func @transform_3(%arg0: i32) -> (i32, i32) {
    %c0_i32 = arith.constant 0 : i32
    %c0_i32_0 = arith.constant 0 : i32
    %c0_i32_1 = arith.constant 0 : i32
    return %c0_i32, %c0_i32_0 : i32, i32
  }
  func.func @transform_4(%arg0: i32) -> (i32, i32) {
    %c0_i32 = arith.constant 0 : i32
    %c0_i32_0 = arith.constant 0 : i32
    return %arg0, %c0_i32 : i32, i32
  }
  func.func @transform_5(%arg0: i32) -> (i32, i32) {
    %c0_i32 = arith.constant 0 : i32
    %c0_i32_0 = arith.constant 0 : i32
    return %arg0, %c0_i32 : i32, i32
  }
  func.func @transform_6(%arg0: i32) -> (i32, i32) {
    %c0_i32 = arith.constant 0 : i32
    %c0_i32_0 = arith.constant 0 : i32
    %c0_i32_1 = arith.constant 0 : i32
    return %c0_i32, %c0_i32_0 : i32, i32
  }
  func.func @transform_7(%arg0: i32) -> (i32, i32) {
    %c0_i32 = arith.constant 0 : i32
    %c0_i32_0 = arith.constant 0 : i32
    %c0_i32_1 = arith.constant 0 : i32
    return %c0_i32, %c0_i32_0 : i32, i32
  }
}

</mosaic_0001>

<sc_bundles>
// kernel: kernel.4.cloned.1.call-start
scs
__scs_entry_jumppad:
0x0: {  	(pc) =	sbr.rel $0x88, $3  }
0x1: {  	(tag) =	ssettag $0x0;
	lr =	simm.s32 $0x1  }
0x2: {  	[smem:$0x3F9F] =	sst lr;
	_ =	strace $0xD0000000  }
0x3: {  	_ = 	snop  }
0x4: {  	_ = 	snop  }
0x5: {  	_ = 	snop  }
0x6: {  	_ = 	snop  }
0x7: {  	_ = 	snop  }
__scs_overlays_trampoline_lowered:
0x8: {  	[smem:$0x3FAE] =	sst s0  }
0x9: {  	[smem:$0x3FAF] =	sst s1  }
0xa: {  	[smem:$0x3FB0] =	sst s2  }
0xb: {  	[smem:$0x3FB1] =	sst s3  }
0xc: {  	[smem:$0x3FB2] =	sst s4  }
0xd: {  	[smem:$0x3FB3] =	sst s5  }
0xe: {  	[smem:$0x3FB4] =	sst s6  }
0xf: {  	[smem:$0x3FB5] =	sst s7  }
0x10: {  	[smem:$0x3FB6] =	sst s8  }
0x11: {  	[smem:$0x3FB7] =	sst s9;
	s0 =	simm.s32 @!p0 $0x0  }
0x12: {  	s1 =	sld [smem:$0x3F9D];
	s0 =	simm.s32 @p0 $0x1  }
0x13: {  	[smem:$0x3FB8] =	sst s0;
	s0 =	simm.s32 @!p1 $0x0  }
0x14: {  	s2 =	sld [smem:$0x3F9C];
	s0 =	simm.s32 @p1 $0x1  }
0x15: {  	[smem:$0x3FB9] =	sst s0;
	s0 =	simm.s32 @!p2 $0x0  }
0x16: {  	s3 =	sld [smem:$0x3FDB];
	s0 =	simm.s32 @p2 $0x1  }
0x17: {  	s4 =	simm.s32 $0x1BF5;
	[smem:$0x3FBB] =	sst s0  }
0x18: {  	s0 =	sld [smem:$0x3F9E];
	_ =	swait.ge [sflag:s4], $0x0  }
0x19: {  	s7 =	sld [smem:$0x3F9F]  }
0x1a: {  	s8 =	sadd.s32 $0xFFFFE003, lr  }
0x1b: {  	s9 =	sadd.s32 $0xFFFFFEF7, lr;
	s5 =	simm.s32 $0xFFFFFFFF;
	p2 =	slt.u32 s8, $0xFFFFF086  }
0x1c: {  	p1 =	slt.u32 s9, $0xF7A;
	s5 =	simm.s32 @!p2 $0x0  }
0x1d: {  	s5 =	simm.s32 @p1 $0x1;
	p0 =	seq.s32 s7, s2  }
0x1e: {  	s7 =	smul.u32 @!p0 $0xF7A, s2;
	p2 =	seq.s32 @!p0 s5, $0x0  }
0x1f: {  	s9 =	smul.u32 $0xF7A, s1;
	s8 =	simm.s32 @!p0 $0x1BF5;
	p2 =	por !p2, p0  }
0x20: {  	[sflag:s8] =	ssyncset.s32 @!p0 $0xFFFFF086;
	s6 =	sadd.s32 @!p0 s3, s7;
	s7 =	simm.s32 @!p0 $0x108  }
0x21: {  	s3 =	sadd.s32 s3, s9;
	s6 =	sadd.s32 @!p0 $0x88, s6;
	s7 =	simm.s32 @p2 $0x1082  }
0x22: {  	[simem:s7], [sflag:s8] =	dma.local @!p0 [hbm:s6], $0xF7A  }
0x23: {  	s9 =	sor.u32 $0xD0000000, s2;
	s6 =	simm.s32 $0x108;
	_ =	swait.ge @!p0 [sflag:s8], $0x0  }
0x24: {  	s3 =	sadd.s32 $0x88, s3;
	s6 =	simm.s32 @!p1 $0x1082;
	[sflag:s4] =	ssyncset.s32 $0xFFFFF086  }
0x25: {  	[simem:s6], [sflag:s4] =	dma.local [hbm:s3], $0xF7A  }
0x26: {  	[smem:$0x3F9F] =	sst s1;
	(tag) =	ssettag s2;
	_ =	strace s9  }
0x27: {  	s1 =	sld [smem:$0x3FAF]  }
0x28: {  	s2 =	sld [smem:$0x3FB0]  }
0x29: {  	s4 =	sld [smem:$0x3FB2]  }
0x2a: {  	p0 =	seq.s32 s5, $0x0;
	s5 =	sld [smem:$0x3FB3]  }
0x2b: {  	s6 =	sld [smem:$0x3FB4]  }
0x2c: {  	s7 =	sld [smem:$0x3FB5]  }
0x2d: {  	s3 =	simm.s32 $0x108;
	s8 =	sld [smem:$0x3FB6]  }
0x2e: {  	s3 =	simm.s32 @!p0 $0x1082;
	s9 =	sld [smem:$0x3FB7]  }
0x2f: {  	lr =	sadd.s32 s0, s3;
	s0 =	sld [smem:$0x3FAE]  }
0x30: {  	s3 =	sld [smem:$0x3FB1]  }
0x31: {  	[smem:$0x3FBA] =	sst s10  }
0x32: {  	s10 =	sld [smem:$0x3FB8];
	_ =	sdelay $0x3  }
0x33: {  	p0 =	seq.s32 s10, $0x1;
	s10 =	sld [smem:$0x3FBA];
	_ =	sdelay $0x3  }
0x34: {  	[smem:$0x3FBA] =	sst s10  }
0x35: {  	s10 =	sld [smem:$0x3FB9];
	_ =	sdelay $0x3  }
0x36: {  	p1 =	seq.s32 s10, $0x1;
	s10 =	sld [smem:$0x3FBA];
	_ =	sdelay $0x3  }
0x37: {  	[smem:$0x3FBA] =	sst s10  }
0x38: {  	s10 =	sld [smem:$0x3FBB]  }
0x39: {  	_ = 	snop;
	(pc) =	sbr.ind lr, $3  }
0x3a: {  	_ = 	snop  }
0x3b: {  	_ = 	snop  }
0x3c: {  	p2 =	seq.s32 s10, $0x1;
	s10 =	sld [smem:$0x3FBA]  }
0x3d: {  	_ =	shalt  }
0x3e: {  	_ =	shalt  }
0x3f: {  	_ =	shalt  }
0x40: {  	_ =	shalt  }
0x41: {  	_ =	shalt  }
0x42: {  	_ =	shalt  }
0x43: {  	_ =	shalt  }
0x44: {  	_ =	shalt  }
0x45: {  	_ =	shalt  }
0x46: {  	_ =	shalt  }
0x47: {  	_ =	shalt  }
0x48: {  	_ =	shalt  }
0x49: {  	_ =	shalt  }
0x4a: {  	_ =	shalt  }
0x4b: {  	_ =	shalt  }
0x4c: {  	_ =	shalt  }
0x4d: {  	_ =	shalt  }
0x4e: {  	_ =	shalt  }
0x4f: {  	_ =	shalt  }
0x50: {  	_ =	shalt  }
0x51: {  	_ =	shalt  }
0x52: {  	_ =	shalt  }
0x53: {  	_ =	shalt  }
0x54: {  	_ =	shalt  }
0x55: {  	_ =	shalt  }
0x56: {  	_ =	shalt  }
0x57: {  	_ =	shalt  }
0x58: {  	_ =	shalt  }
0x59: {  	_ =	shalt  }
0x5a: {  	_ =	shalt  }
0x5b: {  	_ =	shalt  }
0x5c: {  	_ =	shalt  }
0x5d: {  	_ =	shalt  }
0x5e: {  	_ =	shalt  }
0x5f: {  	_ =	shalt  }
0x60: {  	_ =	shalt  }
0x61: {  	_ =	shalt  }
0x62: {  	_ =	shalt  }
0x63: {  	_ =	shalt  }
0x64: {  	_ =	shalt  }
0x65: {  	_ =	shalt  }
0x66: {  	_ =	shalt  }
0x67: {  	_ =	shalt  }
0x68: {  	_ =	shalt  }
0x69: {  	_ =	shalt  }
0x6a: {  	_ =	shalt  }
0x6b: {  	_ =	shalt  }
0x6c: {  	_ =	shalt  }
0x6d: {  	_ =	shalt  }
0x6e: {  	_ =	shalt  }
0x6f: {  	_ =	shalt  }
0x70: {  	_ =	shalt  }
0x71: {  	_ =	shalt  }
0x72: {  	_ =	shalt  }
0x73: {  	_ =	shalt  }
0x74: {  	_ =	shalt  }
0x75: {  	_ =	shalt  }
0x76: {  	_ =	shalt  }
0x77: {  	_ =	shalt  }
0x78: {  	_ =	shalt  }
0x79: {  	_ =	shalt  }
0x7a: {  	_ =	shalt  }
0x7b: {  	_ =	shalt  }
0x7c: {  	_ =	shalt  }
0x7d: {  	_ =	shalt  }
0x7e: {  	_ =	shalt  }
0x7f: {  	_ =	shalt  }
0x80: {  	_ =	shalt  }
0x81: {  	_ =	shalt  }
0x82: {  	_ =	shalt  }
0x83: {  	_ =	shalt  }
0x84: {  	_ =	shalt  }
0x85: {  	_ =	shalt  }
0x86: {  	_ =	shalt  }
0x87: {  	_ =	shalt  }
.Lfunc_end0:
.L_simem_size_0:
called_computation_lowered:
.L_overlay_start_0:
0x88: {  	s2 =	sld [smem:$0x3FD9]  }
0x89: {  	s3 =	sld [smem:$0x3FFE];
	_ =	sdelay $0x1  }
0x8a: {  	s1 =	srdreg.scid  }
0x8b: {  	s0 =	sand.u32 $0x1, s1  }
0x8c: {  	s14 =	sshll.u32 s0, $0xA;
	s2 =	sadd.s32 s3, s2  }
0x8d: {  	s2 =	sadd.s32 s2, s14  }
0x8e: {  	[smem:$0x3FC6] =	sst s2  }
0x8f: {  	_ = 	snop  }
0x90: {  	s2 =	sld [smem:$0x3FD0];
	_ =	sdelay $0x2  }
0x91: {  	s15 =	simm.s32 $0xA;
	s4 =	simm.s32 $0x10  }
0x92: {  	[smem:s4], [sflag:s15] =	dma.local [hbm:s2], $0x1  }
0x93: {  	_ =	swait.eq [sflag:s15], $0x1  }
0x94: {  	[sflag:s15] =	ssyncset.done $0x0  }
0x95: {  	[sflag:s15] =	ssyncadd.s32 $0xFFFFFFFF  }
0x96: {  	s16 =	sld [smem:$0x11];
	(tm) =	ssettm $0x1  }
0x97: {  	s17 =	sld [smem:$0x3FFB];
	_ =	sdelay $0x3  }
0x98: {  	_ =	strace s17  }
0x99: {  	s3 =	sld [smem:$0x3FFC];
	_ =	sdelay $0x3  }
0x9a: {  	_ =	strace s3  }
0x9b: {  	s3 =	sld [smem:$0x3FFD];
	_ =	sdelay $0x3  }
0x9c: {  	_ =	strace s3  }
0x9d: {  	_ =	strace $0x8FFFFFFF  }
0x9e: {  	s18 =	sld [smem:$0x3FDB];
	_ =	sdelay $0x1  }
0x9f: {  	s19 =	simm.s32 $_scs_section_size  }
0xa0: {  	s5 =	simm.s32 $_size__tile_overlayer_lowered;
	s6 =	simm.s32 $_tile_overlayer_lowered  }
0xa1: {  	s22 =	simm.s32 $0x1BFF;
	s21 =	sshll.u32 s6, $0x1;
	s3 =	sadd.s32 s19, s18  }
0xa2: {  	s7 =	simm.s32 $0x0;
	s20 =	sshll.u32 s5, $0x1;
	s5 =	sadd.s32 s21, s3  }
0xa3: {  	[timem:s7], [sflag:s22] =	dma.local [hbm:s5], s20  }
0xa4: {  	_ =	swait.ge [sflag:s22], s20  }
0xa5: {  	s4 =	ssub.s32 $0x0, s20;
	[sflag:s22] =	ssyncset.done $0x0  }
0xa6: {  	[sflag:s22] =	ssyncadd.s32 s4;
	_ =	sdelay $0x1  }
0xa7: {  	s23 =	simm.s32 $0x1B8B  }
0xa8: {  	_ =	swait.ge [sflag:s23], $0x1  }
0xa9: {  	[sflag:s23] =	ssyncset.done $0x0  }
0xaa: {  	s25 =	simm.s32 $0x1B8E;
	s24 =	sld [smem:$0x3FFE];
	[sflag:s23] =	ssyncadd.s32 $0xFFFFFFFF  }
0xab: {  	s26 =	simm.s32 $execute0_lowered;
	[smem:$0x3FD2] =	sst s25  }
0xac: {  	s5 =	sshll.u32 s26, $0x1;
	_ =	strace $0x80000046;
	[dreg:$0x1] =	wrdreg $0xFFFFFFFF  }
0xad: {  	s28 =	simm.s32 $_size_execute0_lowered;
	s3 =	sadd.s32 s3, s5;
	[dreg:$0x0] =	wrdreg $0x0  }
0xae: {  	s5 =	sshll.u32 s28, $0x1;
	[dreg:$0x2] =	wrdreg s3  }
0xaf: {  	[dreg:$0x3] =	wrdreg s5  }
0xb0: {  	[dreg:$0x4] =	wrdreg $0xC0  }
0xb1: {  	_ =	task [dreg:s7], $0x5FFFF  }
0xb2: {  	[dreg:$0x1] =	wrdreg $0xFFFFFFFF  }
0xb3: {  	[dreg:$0x0] =	wrdreg $0x60  }
0xb4: {  	[dreg:$0x2] =	wrdreg s16  }
0xb5: {  	[dreg:$0x3] =	wrdreg s24  }
0xb6: {  	[dreg:$0x4] =	wrdreg $0x9  }
0xb7: {  	_ =	task.clear_ibuf [dreg:s7], $0x5FFFF;
	_ =	strace $0x90000046  }
0xb8: {  	s29 =	simm.s32 $0x9;
	_ =	strace $0x80000048  }
0xb9: {  	_ =	swait.ge [sflag:s29], $0x1  }
0xba: {  	[sflag:s29] =	ssyncadd.s32 $0xFFFFFFFF  }
0xbb: {  	_ =	strace $0x90000048  }
0xbc: {  	_ =	sfence  }
0xbd: {  	s30 =	sld [smem:$0x0];
	_ =	sdelay $0x2  }
0xbe: {  	s31 =	sshll.u32 s1, $0xD;
	s1 =	sshrl.u32 s1, $0x2  }
0xbf: {  	s3 =	sand.u32 $0x4000, s31;
	s1 =	sadd.s32 s1, s30  }
0xc0: {  	s0 =	sor.u32 s3, s0;
	s1 =	sshll.u32 s1, $0x11  }
0xc1: {  	s0 =	sor.u32 s1, s0  }
0xc2: {  	s0 =	sadd.s32 $0x8F2B, s0  }
0xc3: {  	[sflag:s0] =	ssyncadd.remote.s32 $0x1  }
0xc4: {  	_ =	sfence.sel $0xFFFF  }
0xc5: {  	[dreg:$0x0] =	wrdreg $0xFFFFFFFF;
	(pc) =	sbr.abs _section_cstart, $3  }
0xc6: {  	[dreg:$0x1] =	wrdreg $0xFFFFFFFF  }
0xc7: {  	_ =	task.clear_ibuf [dreg:s7], $0x2FFFF;
	_ =	strace $0x9FFFFFFF  }
0xc8: {  	(tm) =	ssettm $0x7FFFFFFF  }
0xc9: {  	_ =	shalt  }
tec
execute0_lowered:
.L_overlay_start_1:
0x0: {  	(tag) =	ssettag $0x1  }
0x1: {  	s4 =	rddreg [dreg:$0x0]  }
0x2: {  	s7 =	rddreg [dreg:$0x1]  }
0x3: {  	s0 =	rddreg [dreg:$0x2];
	s2 =	simm.s32 $0x0;
	s3 =	srdreg.scid  }
0x4: {  	s1 =	stileid.u32;
	s11 =	simm.s32 $0x8200;
	s12 =	simm.s32 $0x80  }
0x5: {  	s13 =	simm.s32 $0x200;
	s14 =	simm.s32 $0x4200;
	s15 =	simm.s32 $0x1  }
0x6: {  	s16 =	simm.s32 $0x100;
	s17 =	simm.s32 $0x180;
	s18 =	simm.s32 $0x0  }
0x7: {  	[smem:$0x7FF] =	sst s2;
	s5 =	sand.u32 $0x1, s3;
	s6 =	sshll.u32 s1, $0xA  }
0x8: {  	s3 =	sadd.s32 $0x40000, s7;
	s30 =	sadd.s32 $0x60000, s7;
	s8 =	sshll.u32 s5, $0x9  }
0x9: {  	_ =	strace $0x80000047;
	s5 =	ssub.s32 $0x2, s5;
	s6 =	sor.u32 s8, s6  }
0xa: {  	s9 =	sshrl.u32 s5, $0x1;
	s10 =	sshrl.u32 s6, $0x3;
	s31 =	sshll.u32 s6, $0x4  }
0xb: {  	s9 =	ssub.s32 s5, s9;
	s4 =	sadd.s32 s4, s10;
	s5 =	sadd.s32 s7, s31  }
0xc: {  	s6 =	sadd.s32 s30, s31;
	s10 =	sor.u32 $0x1000, s31;
	s9 =	smax.u32 s9, $0x1  }
0xd: {  	s7 =	sadd.s32 s7, s10;
	s8 =	sadd.s32 s30, s10;
	s10 =	simm.s32 $0x2  }
.LBB2_1:
0xe: {  	[tilespmem:s2], [sflag:$0x2] =	stream.linear.gather [hbm4b:s4+s2], $0x200, $0x38;
	[tilespmem:$0x10200] =	vst v63  }
0xf: {  	_ =	swait.ge [sflag:s10], $0x200  }
0x10: {  	[sflag:s10] =	ssyncset.done $0x0  }
0x11: {  	[sflag:s10] =	ssyncadd.s32 $0xFFFFFE00  }
0x12: {  	[tilespmem:s11], [sflag:$0x2] =	stream.linear.gather [hbm4b:s5+s2], $0x8000, $0x38;
	[tilespmem:$0x10200] =	vst v63  }
0x13: {  	_ =	swait.ge [sflag:s10], $0x8000  }
0x14: {  	[sflag:s10] =	ssyncset.done $0x0  }
0x15: {  	[sflag:s10] =	ssyncadd.s32 $0xFFFF8000  }
0x16: {  	[tilespmem:s13], [sflag:$0x1] =	stream.indirect.gather [hbm4b:s3+s12], $0x80, s2, s12, $0xb8;
	[tilespmem:$0x10200] =	vst v63  }
0x17: {  	_ = 	snop  }
0x18: {  	[tilespmem:s14], [sflag:$0x1] =	stream.indirect.gather [hbm4b:s3+s12], $0x80, s12, s12, $0xb8;
	[tilespmem:$0x10200] =	vst v63  }
0x19: {  	_ =	swait.ge [sflag:s15], $0x4000  }
0x1a: {  	[sflag:s15] =	ssyncset.done $0x0  }
0x1b: {  	[sflag:s15] =	ssyncadd.s32 $0xFFFFC000  }
0x1c: {  	_ =	swait.ge [sflag:s15], $0x4000  }
0x1d: {  	[sflag:s15] =	ssyncset.done $0x0  }
0x1e: {  	s19 =	simm.s32 $0x0;
	[sflag:s15] =	ssyncadd.s32 $0xFFFFC000  }
0x1f: {  	v0 =	vld [tilespmem:s19+$0x200]  }
0x20: {  	v2 =	vld [tilespmem:s19+$0x210]  }
0x21: {  	s20 =	simm.s32 $0x200;
	v1 =	vld [tilespmem:s19+$0x8200]  }
.LBB2_2:
0x22: {  	p0 =	sne.s32 s20, $0x1FE00;
	v3 =	vld [tilespmem:s19+$0x8210];
	_ =	sdelay $0x3  }
0x23: {  	v0 =	vsub.f32 v0, v1  }
.Ltmp0:
0x24: {  	v2 =	vsub.f32 v2, v3;
	(pc) =	sbr.rel @p0 .LBB2_2-.Ltmp0, $4  }
0x25: {  	s21 =	sshra.s32 s20, $0x2;
	v1 =	vadd.f32 v0, v1  }
0x26: {  	v0 =	vld [tilespmem:s21+$0x200];
	v3 =	vadd.f32 v2, v3  }
0x27: {  	v2 =	vld [tilespmem:s21+$0x210];
	[tilespmem:s19+$0x8200] =	vst v1  }
0x28: {  	s20 =	sadd.s32 $0x200, s20;
	v1 =	vld [tilespmem:s21+$0x8200];
	[tilespmem:s19+$0x8210] =	vst v3;
	s19 =	smov.u32 s21  }
0x29: {  	v3 =	vld [tilespmem:s19+$0x8210];
	_ =	sdelay $0x3  }
0x2a: {  	v0 =	vsub.f32 v0, v1  }
0x2b: {  	v2 =	vsub.f32 v2, v3  }
0x2c: {  	v0 =	vadd.f32 v0, v1  }
0x2d: {  	v1 =	vadd.f32 v2, v3  }
0x2e: {  	[tilespmem:s19+$0x8200] =	vst v0  }
0x2f: {  	s31 =	simm.s32 $0x0;
	[tilespmem:s19+$0x8210] =	vst v1  }
0x30: {  	[hbm4b:s6+s31] =	stream.linear.scatter [tilespmem:s11], [sflag:$0x2], $0x8000, $0x38;
	[tilespmem:$0x10200] =	vst v63  }
0x31: {  	_ =	swait.ge [sflag:s10], $0x8000  }
0x32: {  	[sflag:s10] =	ssyncset.done $0x0  }
0x33: {  	[sflag:s10] =	ssyncadd.s32 $0xFFFF8000  }
0x34: {  	[tilespmem:s11], [sflag:$0x2] =	stream.linear.gather [hbm4b:s7+s31], $0x8000, $0x38;
	[tilespmem:$0x10200] =	vst v63  }
0x35: {  	_ =	swait.ge [sflag:s10], $0x8000  }
0x36: {  	[sflag:s10] =	ssyncset.done $0x0  }
0x37: {  	[sflag:s10] =	ssyncadd.s32 $0xFFFF8000  }
0x38: {  	[tilespmem:s13], [sflag:$0x1] =	stream.indirect.gather [hbm4b:s3+s12], $0x80, s16, s12, $0xb8;
	[tilespmem:$0x10200] =	vst v63  }
0x39: {  	_ = 	snop  }
0x3a: {  	[tilespmem:s14], [sflag:$0x1] =	stream.indirect.gather [hbm4b:s3+s12], $0x80, s17, s12, $0xb8;
	[tilespmem:$0x10200] =	vst v63  }
0x3b: {  	_ =	swait.ge [sflag:s15], $0x4000  }
0x3c: {  	[sflag:s15] =	ssyncset.done $0x0  }
0x3d: {  	[sflag:s15] =	ssyncadd.s32 $0xFFFFC000  }
0x3e: {  	_ =	swait.ge [sflag:s15], $0x4000  }
0x3f: {  	[sflag:s15] =	ssyncset.done $0x0  }
0x40: {  	s19 =	simm.s32 $0x0;
	[sflag:s15] =	ssyncadd.s32 $0xFFFFC000  }
0x41: {  	v0 =	vld [tilespmem:s19+$0x200]  }
0x42: {  	v2 =	vld [tilespmem:s19+$0x210]  }
0x43: {  	s20 =	simm.s32 $0x200;
	v1 =	vld [tilespmem:s19+$0x8200]  }
.LBB2_4:
0x44: {  	p0 =	sne.s32 s20, $0x1FE00;
	v3 =	vld [tilespmem:s19+$0x8210];
	_ =	sdelay $0x3  }
0x45: {  	v0 =	vsub.f32 v0, v1  }
.Ltmp1:
0x46: {  	v2 =	vsub.f32 v2, v3;
	(pc) =	sbr.rel @p0 .LBB2_4-.Ltmp1, $4  }
0x47: {  	s21 =	sshra.s32 s20, $0x2;
	v1 =	vadd.f32 v0, v1  }
0x48: {  	v0 =	vld [tilespmem:s21+$0x200];
	v3 =	vadd.f32 v2, v3  }
0x49: {  	v2 =	vld [tilespmem:s21+$0x210];
	[tilespmem:s19+$0x8200] =	vst v1  }
0x4a: {  	s20 =	sadd.s32 $0x200, s20;
	v1 =	vld [tilespmem:s21+$0x8200];
	[tilespmem:s19+$0x8210] =	vst v3;
	s19 =	smov.u32 s21  }
0x4b: {  	v3 =	vld [tilespmem:s19+$0x8210];
	_ =	sdelay $0x3  }
0x4c: {  	v0 =	vsub.f32 v0, v1  }
0x4d: {  	v2 =	vsub.f32 v2, v3  }
0x4e: {  	v0 =	vadd.f32 v0, v1  }
0x4f: {  	s18 =	sadd.s32 $0x1, s18;
	v63 =	vadd.f32 v2, v3  }
0x50: {  	p0 =	sne.s32 s18, s9;
	[tilespmem:s19+$0x8200] =	vst v0  }
.Ltmp2:
0x51: {  	[tilespmem:s19+$0x8210] =	vst v63;
	(pc) =	sbr.rel @p0 .LBB2_1-.Ltmp2, $4  }
0x52: {  	[hbm4b:s8+s2] =	stream.linear.scatter [tilespmem:s11], [sflag:$0x2], $0x8000, $0x38;
	[tilespmem:$0x10200] =	vst v63  }
0x53: {  	_ =	swait.ge [sflag:s10], $0x8000  }
0x54: {  	[sflag:s10] =	ssyncset.done $0x0  }
0x55: {  	[sflag:s10] =	ssyncadd.s32 $0xFFFF8000  }
0x56: {  	_ =	sfence.sel $0x180000  }
0x57: {  	[bflag:$0x0] =	sbarrier.arrive $0xFFFF  }
0x58: {  	p0 =	sne.s32 s1, $0x0;
	_ =	strace $0x90000047  }
0x59: {  	s0 =	sadd.s32 @!p0 $0x100000, s0;
	[bflag:$0x2] =	sbarrier.arrive $0xFFFF  }
0x5a: {  	[sflag:s0] =	ssyncadd.tile.s32 @!p0 $0x1;
	_ =	shalt  }
.Lfunc_end2:
_tile_overlayer_lowered:
.L_overlay_start_2:
0x5b: {  	(tag) =	ssettag $0x2  }
0x5c: {  	s0 =	rddreg [dreg:$0x0];
	s2 =	stileid.u32  }
0x5d: {  	s1 =	rddreg [dreg:$0x1];
	p0 =	sne.s32 s2, $0x0  }
0x5e: {  	s3 =	rddreg [dreg:$0x2];
	[bflag:$0x3] =	sbarrier.arrive $0xFFFF;
	s2 =	simm.s32 @!p0 $0x1C02  }
0x5f: {  	[timem:s3], [sflag:s2] =	dma.local @!p0 [hbm:s0], s1  }
0x60: {  	s0 =	simm.s32 @!p0 $0x2  }
0x61: {  	_ =	swait.ge @!p0 [sflag:s0], s1  }
0x62: {  	s1 =	ssub.s32 @!p0 $0x0, s1;
	[sflag:s0] =	ssyncset.done @!p0 $0x0  }
0x63: {  	[sflag:s0] =	ssyncadd.s32 @!p0 s1  }
0x64: {  	[bflag:$0x3] =	sbarrier.arrive $0xFFFF  }
0x65: {  	_ =	shalt  }

</sc_bundles>
